<compile_context>
chip_gen: v7x
topology: tpu7x:2x2x1
jax: 0.10.2.dev20260603
libtpu: 0.0.44.dev20260713+nightly
codegen_flags: <defaults>
</compile_context>

<pallas_src>
import functools

import jax
import jax.numpy as jnp
from jax import lax
from jax.experimental import pallas as pl
from jax.experimental.pallas import tpu as pltpu
from jax.experimental.pallas import tpu_sc as plsc

_C = 96
_PAD = 128
_V = 512 * 512
_B = 1048576
_NC = 2
_NS = 16
_NW = _NC * _NS
_BW = _B // _NW
_CHUNK = 128
_NCH = _BW // _CHUNK
_NBUF = 5
_DEPTH = 4

_BH = 16
_GRID_T = 512 // _BH


def _transpose_body(img_ref, out_ref):
    x = img_ref[0].reshape(_C, _BH * 512)
    out_ref[:, 0:_C] = x.T


_tc_transpose = pl.pallas_call(
    _transpose_body,
    grid=(_GRID_T,),
    in_specs=[pl.BlockSpec((1, _C, _BH, 512), lambda i: (0, 0, i, 0))],
    out_specs=pl.BlockSpec((_BH * 512, _PAD), lambda i: (i, 0)),
    out_shape=jax.ShapeDtypeStruct((_V, _PAD), jnp.float32),
)


def _gather_body(table_hbm, idx_hbm, out_hbm, idx_v, rows_v, gsems, osems):
    wid = lax.axis_index("s") * _NC + lax.axis_index("c")
    pltpu.sync_copy(idx_hbm.at[pl.ds(wid * _NCH, _NCH)], idx_v)
    out_base = wid * _BW

    def gather_desc(j, b):
        return pltpu.make_async_copy(
            table_hbm.at[idx_v.at[j]], rows_v.at[b], gsems.at[b])

    def out_desc(j, b):
        return pltpu.make_async_copy(
            rows_v.at[b], out_hbm.at[pl.ds(out_base + j * _CHUNK, _CHUNK)],
            osems.at[b])

    def step(t, carry):
        @pl.when(t < _NCH)
        def _():
            b = t % _NBUF

            @pl.when(t >= _NBUF)
            def _():
                out_desc(t - _NBUF, b).wait()

            gather_desc(t, b).start()

        p = t - _DEPTH

        @pl.when(p >= 0)
        def _():
            bp = p % _NBUF
            gather_desc(p, bp).wait()
            out_desc(p, bp).start()

        return carry

    lax.fori_loop(0, _NCH + _DEPTH, step, 0)

    for b in range(_NBUF):
        j = _NCH - _NBUF + b
        out_desc(j, j % _NBUF).wait()


_sc_gather = functools.partial(
    pl.kernel,
    out_type=jax.ShapeDtypeStruct((_B, _PAD), jnp.float32),
    mesh=plsc.VectorSubcoreMesh(core_axis_name="c", subcore_axis_name="s"),
    scratch_types=[
        pltpu.VMEM((_NCH, _CHUNK), jnp.int32),
        pltpu.VMEM((_NBUF, _CHUNK, _PAD), jnp.float32),
        pltpu.SemaphoreType.DMA((_NBUF,)),
        pltpu.SemaphoreType.DMA((_NBUF,)),
    ],
)(_gather_body)


def kernel(img, indices):
    table = _tc_transpose(img)
    idx2 = indices.astype(jnp.int32).reshape(_NW * _NCH, _CHUNK)
    return _sc_gather(table, idx2)[:, :_C]

# --- scband reference (transcript-rebuilt; emitter-appended) ---
"""Pipeline reference for scband-pixel-sampler-10033043603902 (READ-ONLY COPY).

The authoritative reference and input builder live on the scoring server;
editing this copy changes nothing except your own understanding.
"""

import jax, jax.numpy as jnp
import numpy as np


def img2tex(img):
    # img: [1, C, H, W] -> tex: [H, W, C]
    return jnp.transpose(img[0], (1, 2, 0))


def setup_inputs(seed: int = 0) -> dict:
    key = jax.random.key(seed)
    k1, k2 = jax.random.split(key)
    img = jax.random.normal(k1, (1, 96, 512, 512), dtype=jnp.float32)
    indices = jax.random.randint(k2, (1048576,), 0, 262144, dtype=jnp.int64 if jax.config.jax_enable_x64 else jnp.int32)
    return {"img": img, "indices": indices}


def reference(img, indices):
    assert img.shape[0] == 1, 'Img should have batch size 1'
    tex = img2tex(img)
    tex_channels = tex.shape[2]
    tex_flattened = tex.reshape(-1, tex_channels)
    if indices is None:
        return tex_flattened
    selected_pixels = jnp.take(tex_flattened, indices, axis=0)
    return selected_pixels

if __name__ == "__main__":
    import jax
    _d = setup_inputs()
    print(jax.jit(kernel)(*tuple(_d.values())))

</pallas_src>

<mosaic_0001>
#map = affine_map<(d0, d1) -> (0, 0)>
module attributes {stable_mosaic.version = 14 : i64} {
  func.func @_gather_body(%arg0: i32, %arg1: i32, %arg2: memref<262144x128xf32, #tpu.memory_space<hbm>>, %arg3: memref<8192x128xi32, #tpu.memory_space<hbm>>, %arg4: memref<1048576x128xf32, #tpu.memory_space<hbm>>, %arg5: memref<256x128xi32, #tpu.memory_space<vmem>>, %arg6: memref<5x128x128xf32, #tpu.memory_space<vmem>>, %arg7: memref<5x!tpu.dma_semaphore, #tpu.memory_space<semaphore_mem>>, %arg8: memref<5x!tpu.dma_semaphore, #tpu.memory_space<semaphore_mem>>) attributes {dimension_semantics = [#tpu.dimension_semantics<core_parallel>, #tpu.dimension_semantics<subcore_parallel>], iteration_bounds = array<i64: 2, 16>, scalar_prefetch = 0 : i64, scratch_operands = 4 : i64, tpu.core_type = #tpu.core_type<sc_vector_subcore>, window_params = [{transform_indices = #map}, {transform_indices = #map}, {transform_indices = #map}]} {
    %mul3A = arith.constant 2 : i32
    %mul3A_0 = arith.muli %arg1, %mul3A : i32
    %add3A = arith.addi %mul3A_0, %arg0 : i32
    %mul3A_1 = arith.constant 256 : i32
    %mul3A_2 = arith.muli %add3A, %mul3A_1 : i32
    "tpu.region"() ({
      %run_scoped3A = tpu.sem_alloc : memref<!tpu.dma_semaphore, #tpu.memory_space<semaphore_mem>>
      %dma_start3A = arith.constant 0 : i32
      %dma_start3A_99 = tpu.memref_slice %arg3[%mul3A_2, %dma_start3A] : memref<8192x128xi32, #tpu.memory_space<hbm>> -> memref<256x128xi32, #tpu.memory_space<hbm>>
      %dma_start3A_100 = arith.constant 0 : i32
      %dma_start3A_101 = tpu.memref_slice %arg3[%mul3A_2, %dma_start3A_100] : memref<8192x128xi32, #tpu.memory_space<hbm>> -> memref<256x128xi32, #tpu.memory_space<hbm>>
      tpu.enqueue_dma source(%dma_start3A_101 : memref<256x128xi32, #tpu.memory_space<hbm>>) target(%arg5 : memref<256x128xi32, #tpu.memory_space<vmem>>) target_semaphore(%run_scoped3A : memref<!tpu.dma_semaphore, #tpu.memory_space<semaphore_mem>>)
      %dma_wait3A_102 = arith.constant 0 : i32
      %dma_wait3A_103 = tpu.memref_slice %arg3[%mul3A_2, %dma_wait3A_102] : memref<8192x128xi32, #tpu.memory_space<hbm>> -> memref<256x128xi32, #tpu.memory_space<hbm>>
      %dma_wait3A_104 = arith.constant 0 : i32
      %dma_wait3A_105 = tpu.memref_slice %arg3[%mul3A_2, %dma_wait3A_104] : memref<8192x128xi32, #tpu.memory_space<hbm>> -> memref<256x128xi32, #tpu.memory_space<hbm>>
      tpu.wait_dma2 semaphore(%run_scoped3A : memref<!tpu.dma_semaphore, #tpu.memory_space<semaphore_mem>>) src(%dma_wait3A_105 : memref<256x128xi32, #tpu.memory_space<hbm>>) dst(%arg5 : memref<256x128xi32, #tpu.memory_space<vmem>>)
      tpu.yield
    }) : () -> ()
    %mul3A_3 = arith.constant 32768 : i32
    %mul3A_4 = arith.muli %add3A, %mul3A_3 : i32
    %scan3A = arith.constant 0 : i32
    %scan3A_5 = arith.constant 0 : i32
    %scan3A_6 = arith.constant 260 : i32
    %scan3A_7 = arith.addi %scan3A_5, %scan3A_6 : i32
    %scan3A_8 = arith.constant 1 : i32
    scf.for %scan3A_99 = %scan3A_5 to %scan3A_7 step %scan3A_8  : i32 {
      %lt3A = arith.constant 256 : i32
      %lt3A_100 = arith.cmpi slt, %scan3A_99, %lt3A : i32
      %convert_element_type3A = arith.extui %lt3A_100 : i1 to i32
      %cond3A = arith.constant 0 : i32
      %cond3A_101 = arith.cmpi ne, %convert_element_type3A, %cond3A : i32
      scf.if %cond3A_101 {
        %jit3A = arith.constant 5 : i32
        %eq3A = arith.constant 0 : i32
        %eq3A_107 = arith.cmpi eq, %jit3A, %eq3A : i32
        %jit3A_108 = arith.constant 1 : i32
        %select_n3A = arith.select %eq3A_107, %jit3A_108, %jit3A : i32
        %rem3A = arith.remsi %scan3A_99, %select_n3A : i32
        %ne3A = arith.constant 0 : i32
        %ne3A_109 = arith.cmpi ne, %rem3A, %ne3A : i32
        %lt3A_110 = arith.constant 0 : i32
        %lt3A_111 = arith.cmpi slt, %rem3A, %lt3A_110 : i32
        %lt3A_112 = arith.constant 0 : i32
        %lt3A_113 = arith.cmpi slt, %select_n3A, %lt3A_112 : i32
        %ne3A_114 = arith.xori %lt3A_111, %lt3A_113 : i1
        %and3A = arith.andi %ne3A_114, %ne3A_109 : i1
        %add3A_115 = arith.addi %rem3A, %select_n3A : i32
        %select_n3A_116 = arith.select %and3A, %add3A_115, %rem3A : i32
        %ge3A_117 = arith.constant 5 : i32
        %ge3A_118 = arith.cmpi sge, %scan3A_99, %ge3A_117 : i32
        %convert_element_type3A_119 = arith.extui %ge3A_118 : i1 to i32
        %cond3A_120 = arith.constant 0 : i32
        %cond3A_121 = arith.cmpi ne, %convert_element_type3A_119, %cond3A_120 : i32
        scf.if %cond3A_121 {
          %sub3A_133 = arith.constant 5 : i32
          %sub3A_134 = arith.subi %scan3A_99, %sub3A_133 : i32
          %mul3A_135 = arith.constant 128 : i32
          %mul3A_136 = arith.muli %sub3A_134, %mul3A_135 : i32
          %add3A_137 = arith.addi %mul3A_4, %mul3A_136 : i32
          %dma_wait3A_138 = arith.constant 0 : i32
          %dma_wait3A_139 = arith.constant 0 : i32
          %dma_wait3A_140 = tpu.memref_slice %arg6[%select_n3A_116, %dma_wait3A_138, %dma_wait3A_139] : memref<5x128x128xf32, #tpu.memory_space<vmem>> -> memref<1x128x128xf32, #tpu.memory_space<vmem>>
          %dma_wait3A_141 = tpu.memref_squeeze %dma_wait3A_140 : memref<1x128x128xf32, #tpu.memory_space<vmem>> -> memref<128x128xf32, #tpu.memory_space<vmem>>
          %dma_wait3A_142 = arith.constant 0 : i32
          %dma_wait3A_143 = tpu.memref_slice %arg4[%add3A_137, %dma_wait3A_142] : memref<1048576x128xf32, #tpu.memory_space<hbm>> -> memref<128x128xf32, #tpu.memory_space<hbm>>
          %dma_wait3A_144 = tpu.memref_slice %arg8[%select_n3A_116] : memref<5x!tpu.dma_semaphore, #tpu.memory_space<semaphore_mem>> -> memref<1x!tpu.dma_semaphore, #tpu.memory_space<semaphore_mem>>
          %dma_wait3A_145 = tpu.memref_squeeze %dma_wait3A_144 : memref<1x!tpu.dma_semaphore, #tpu.memory_space<semaphore_mem>> -> memref<!tpu.dma_semaphore, #tpu.memory_space<semaphore_mem>>
          %dma_wait3A_146 = arith.constant 0 : i32
          %dma_wait3A_147 = tpu.memref_slice %arg4[%add3A_137, %dma_wait3A_146] : memref<1048576x128xf32, #tpu.memory_space<hbm>> -> memref<128x128xf32, #tpu.memory_space<hbm>>
          %dma_wait3A_148 = arith.constant 0 : i32
          %dma_wait3A_149 = arith.constant 0 : i32
          %dma_wait3A_150 = tpu.memref_slice %arg6[%select_n3A_116, %dma_wait3A_148, %dma_wait3A_149] : memref<5x128x128xf32, #tpu.memory_space<vmem>> -> memref<1x128x128xf32, #tpu.memory_space<vmem>>
          %dma_wait3A_151 = tpu.memref_squeeze %dma_wait3A_150 : memref<1x128x128xf32, #tpu.memory_space<vmem>> -> memref<128x128xf32, #tpu.memory_space<vmem>>
          tpu.wait_dma2 semaphore(%dma_wait3A_145 : memref<!tpu.dma_semaphore, #tpu.memory_space<semaphore_mem>>) src(%dma_wait3A_151 : memref<128x128xf32, #tpu.memory_space<vmem>>) dst(%dma_wait3A_147 : memref<128x128xf32, #tpu.memory_space<hbm>>)
        } else {
        }
        %dma_start3A = arith.constant 0 : i32
        %dma_start3A_122 = arith.constant 0 : i32
        %dma_start3A_123 = tpu.memref_slice %arg6[%select_n3A_116, %dma_start3A, %dma_start3A_122] : memref<5x128x128xf32, #tpu.memory_space<vmem>> -> memref<1x128x128xf32, #tpu.memory_space<vmem>>
        %dma_start3A_124 = tpu.memref_squeeze %dma_start3A_123 : memref<1x128x128xf32, #tpu.memory_space<vmem>> -> memref<128x128xf32, #tpu.memory_space<vmem>>
        %dma_start3A_125 = arith.constant 0 : i32
        %dma_start3A_126 = tpu.memref_slice %arg5[%scan3A_99, %dma_start3A_125] : memref<256x128xi32, #tpu.memory_space<vmem>> -> memref<1x128xi32, #tpu.memory_space<vmem>>
        %dma_start3A_127 = tpu.memref_squeeze %dma_start3A_126 : memref<1x128xi32, #tpu.memory_space<vmem>> -> memref<128xi32, #tpu.memory_space<vmem>>
        %dma_start3A_128 = arith.constant 0 : i32
        %dma_start3A_129 = arith.constant 0 : i32
        %dma_start3A_130 = tpu.memref_slice %arg2[%dma_start3A_128, %dma_start3A_129] : memref<262144x128xf32, #tpu.memory_space<hbm>> -> memref<262144x128xf32, #tpu.memory_space<hbm>>
        %dma_start3A_131 = tpu.memref_slice %arg7[%select_n3A_116] : memref<5x!tpu.dma_semaphore, #tpu.memory_space<semaphore_mem>> -> memref<1x!tpu.dma_semaphore, #tpu.memory_space<semaphore_mem>>
        %dma_start3A_132 = tpu.memref_squeeze %dma_start3A_131 : memref<1x!tpu.dma_semaphore, #tpu.memory_space<semaphore_mem>> -> memref<!tpu.dma_semaphore, #tpu.memory_space<semaphore_mem>>
        tpu.enqueue_indirect_dma source(%dma_start3A_130 : memref<262144x128xf32, #tpu.memory_space<hbm>>) target(%dma_start3A_124 : memref<128x128xf32, #tpu.memory_space<vmem>>) offsets(%dma_start3A_127 : memref<128xi32, #tpu.memory_space<vmem>>) semaphore(%dma_start3A_132 : memref<!tpu.dma_semaphore, #tpu.memory_space<semaphore_mem>>)
      } else {
      }
      %sub3A = arith.constant 4 : i32
      %sub3A_102 = arith.subi %scan3A_99, %sub3A : i32
      %ge3A = arith.constant 0 : i32
      %ge3A_103 = arith.cmpi sge, %sub3A_102, %ge3A : i32
      %convert_element_type3A_104 = arith.extui %ge3A_103 : i1 to i32
      %cond3A_105 = arith.constant 0 : i32
      %cond3A_106 = arith.cmpi ne, %convert_element_type3A_104, %cond3A_105 : i32
      scf.if %cond3A_106 {
        %jit3A = arith.constant 5 : i32
        %eq3A = arith.constant 0 : i32
        %eq3A_107 = arith.cmpi eq, %jit3A, %eq3A : i32
        %jit3A_108 = arith.constant 1 : i32
        %select_n3A = arith.select %eq3A_107, %jit3A_108, %jit3A : i32
        %rem3A = arith.remsi %sub3A_102, %select_n3A : i32
        %ne3A = arith.constant 0 : i32
        %ne3A_109 = arith.cmpi ne, %rem3A, %ne3A : i32
        %lt3A_110 = arith.constant 0 : i32
        %lt3A_111 = arith.cmpi slt, %rem3A, %lt3A_110 : i32
        %lt3A_112 = arith.constant 0 : i32
        %lt3A_113 = arith.cmpi slt, %select_n3A, %lt3A_112 : i32
        %ne3A_114 = arith.xori %lt3A_111, %lt3A_113 : i1
        %and3A = arith.andi %ne3A_114, %ne3A_109 : i1
        %add3A_115 = arith.addi %rem3A, %select_n3A : i32
        %select_n3A_116 = arith.select %and3A, %add3A_115, %rem3A : i32
        %dma_wait3A_117 = arith.constant 0 : i32
        %dma_wait3A_118 = arith.constant 0 : i32
        %dma_wait3A_119 = tpu.memref_slice %arg6[%select_n3A_116, %dma_wait3A_117, %dma_wait3A_118] : memref<5x128x128xf32, #tpu.memory_space<vmem>> -> memref<1x128x128xf32, #tpu.memory_space<vmem>>
        %dma_wait3A_120 = tpu.memref_squeeze %dma_wait3A_119 : memref<1x128x128xf32, #tpu.memory_space<vmem>> -> memref<128x128xf32, #tpu.memory_space<vmem>>
        %dma_wait3A_121 = arith.constant 0 : i32
        %dma_wait3A_122 = tpu.memref_slice %arg5[%sub3A_102, %dma_wait3A_121] : memref<256x128xi32, #tpu.memory_space<vmem>> -> memref<1x128xi32, #tpu.memory_space<vmem>>
        %dma_wait3A_123 = tpu.memref_squeeze %dma_wait3A_122 : memref<1x128xi32, #tpu.memory_space<vmem>> -> memref<128xi32, #tpu.memory_space<vmem>>
        %dma_wait3A_124 = arith.constant 0 : i32
        %dma_wait3A_125 = arith.constant 0 : i32
        %dma_wait3A_126 = tpu.memref_slice %arg2[%dma_wait3A_124, %dma_wait3A_125] : memref<262144x128xf32, #tpu.memory_space<hbm>> -> memref<262144x128xf32, #tpu.memory_space<hbm>>
        %dma_wait3A_127 = tpu.memref_slice %arg7[%select_n3A_116] : memref<5x!tpu.dma_semaphore, #tpu.memory_space<semaphore_mem>> -> memref<1x!tpu.dma_semaphore, #tpu.memory_space<semaphore_mem>>
        %dma_wait3A_128 = tpu.memref_squeeze %dma_wait3A_127 : memref<1x!tpu.dma_semaphore, #tpu.memory_space<semaphore_mem>> -> memref<!tpu.dma_semaphore, #tpu.memory_space<semaphore_mem>>
        tpu.wait_indirect_dma semaphore(%dma_wait3A_128 : memref<!tpu.dma_semaphore, #tpu.memory_space<semaphore_mem>>) src(%dma_wait3A_126 : memref<262144x128xf32, #tpu.memory_space<hbm>>) dst(%dma_wait3A_120 : memref<128x128xf32, #tpu.memory_space<vmem>>)
        %mul3A_129 = arith.constant 128 : i32
        %mul3A_130 = arith.muli %sub3A_102, %mul3A_129 : i32
        %add3A_131 = arith.addi %mul3A_4, %mul3A_130 : i32
        %dma_start3A = arith.constant 0 : i32
        %dma_start3A_132 = arith.constant 0 : i32
        %dma_start3A_133 = tpu.memref_slice %arg6[%select_n3A_116, %dma_start3A, %dma_start3A_132] : memref<5x128x128xf32, #tpu.memory_space<vmem>> -> memref<1x128x128xf32, #tpu.memory_space<vmem>>
        %dma_start3A_134 = tpu.memref_squeeze %dma_start3A_133 : memref<1x128x128xf32, #tpu.memory_space<vmem>> -> memref<128x128xf32, #tpu.memory_space<vmem>>
        %dma_start3A_135 = arith.constant 0 : i32
        %dma_start3A_136 = tpu.memref_slice %arg4[%add3A_131, %dma_start3A_135] : memref<1048576x128xf32, #tpu.memory_space<hbm>> -> memref<128x128xf32, #tpu.memory_space<hbm>>
        %dma_start3A_137 = tpu.memref_slice %arg8[%select_n3A_116] : memref<5x!tpu.dma_semaphore, #tpu.memory_space<semaphore_mem>> -> memref<1x!tpu.dma_semaphore, #tpu.memory_space<semaphore_mem>>
        %dma_start3A_138 = tpu.memref_squeeze %dma_start3A_137 : memref<1x!tpu.dma_semaphore, #tpu.memory_space<semaphore_mem>> -> memref<!tpu.dma_semaphore, #tpu.memory_space<semaphore_mem>>
        %dma_start3A_139 = arith.constant 0 : i32
        %dma_start3A_140 = tpu.memref_slice %arg4[%add3A_131, %dma_start3A_139] : memref<1048576x128xf32, #tpu.memory_space<hbm>> -> memref<128x128xf32, #tpu.memory_space<hbm>>
        %dma_start3A_141 = arith.constant 0 : i32
        %dma_start3A_142 = arith.constant 0 : i32
        %dma_start3A_143 = tpu.memref_slice %arg6[%select_n3A_116, %dma_start3A_141, %dma_start3A_142] : memref<5x128x128xf32, #tpu.memory_space<vmem>> -> memref<1x128x128xf32, #tpu.memory_space<vmem>>
        %dma_start3A_144 = tpu.memref_squeeze %dma_start3A_143 : memref<1x128x128xf32, #tpu.memory_space<vmem>> -> memref<128x128xf32, #tpu.memory_space<vmem>>
        tpu.enqueue_dma source(%dma_start3A_144 : memref<128x128xf32, #tpu.memory_space<vmem>>) target(%dma_start3A_140 : memref<128x128xf32, #tpu.memory_space<hbm>>) target_semaphore(%dma_start3A_138 : memref<!tpu.dma_semaphore, #tpu.memory_space<semaphore_mem>>)
      } else {
      }
    }
    %scan3A_9 = arith.constant 260 : i32
    %add3A_10 = arith.constant 32128 : i32
    %add3A_11 = arith.addi %mul3A_4, %add3A_10 : i32
    %dma_wait3A = arith.constant 1 : i32
    %dma_wait3A_12 = arith.constant 1 : i32
    %dma_wait3A_13 = arith.constant 0 : i32
    %dma_wait3A_14 = arith.constant 0 : i32
    %dma_wait3A_15 = tpu.memref_slice %arg6[%dma_wait3A, %dma_wait3A_13, %dma_wait3A_14] : memref<5x128x128xf32, #tpu.memory_space<vmem>> -> memref<1x128x128xf32, #tpu.memory_space<vmem>>
    %dma_wait3A_16 = tpu.memref_squeeze %dma_wait3A_15 : memref<1x128x128xf32, #tpu.memory_space<vmem>> -> memref<128x128xf32, #tpu.memory_space<vmem>>
    %dma_wait3A_17 = arith.constant 0 : i32
    %dma_wait3A_18 = tpu.memref_slice %arg4[%add3A_11, %dma_wait3A_17] : memref<1048576x128xf32, #tpu.memory_space<hbm>> -> memref<128x128xf32, #tpu.memory_space<hbm>>
    %dma_wait3A_19 = tpu.memref_slice %arg8[%dma_wait3A_12] : memref<5x!tpu.dma_semaphore, #tpu.memory_space<semaphore_mem>> -> memref<1x!tpu.dma_semaphore, #tpu.memory_space<semaphore_mem>>
    %dma_wait3A_20 = tpu.memref_squeeze %dma_wait3A_19 : memref<1x!tpu.dma_semaphore, #tpu.memory_space<semaphore_mem>> -> memref<!tpu.dma_semaphore, #tpu.memory_space<semaphore_mem>>
    %dma_wait3A_21 = arith.constant 0 : i32
    %dma_wait3A_22 = tpu.memref_slice %arg4[%add3A_11, %dma_wait3A_21] : memref<1048576x128xf32, #tpu.memory_space<hbm>> -> memref<128x128xf32, #tpu.memory_space<hbm>>
    %dma_wait3A_23 = arith.constant 0 : i32
    %dma_wait3A_24 = arith.constant 0 : i32
    %dma_wait3A_25 = tpu.memref_slice %arg6[%dma_wait3A, %dma_wait3A_23, %dma_wait3A_24] : memref<5x128x128xf32, #tpu.memory_space<vmem>> -> memref<1x128x128xf32, #tpu.memory_space<vmem>>
    %dma_wait3A_26 = tpu.memref_squeeze %dma_wait3A_25 : memref<1x128x128xf32, #tpu.memory_space<vmem>> -> memref<128x128xf32, #tpu.memory_space<vmem>>
    tpu.wait_dma2 semaphore(%dma_wait3A_20 : memref<!tpu.dma_semaphore, #tpu.memory_space<semaphore_mem>>) src(%dma_wait3A_26 : memref<128x128xf32, #tpu.memory_space<vmem>>) dst(%dma_wait3A_22 : memref<128x128xf32, #tpu.memory_space<hbm>>)
    %add3A_27 = arith.constant 32256 : i32
    %add3A_28 = arith.addi %mul3A_4, %add3A_27 : i32
    %dma_wait3A_29 = arith.constant 2 : i32
    %dma_wait3A_30 = arith.constant 2 : i32
    %dma_wait3A_31 = arith.constant 0 : i32
    %dma_wait3A_32 = arith.constant 0 : i32
    %dma_wait3A_33 = tpu.memref_slice %arg6[%dma_wait3A_29, %dma_wait3A_31, %dma_wait3A_32] : memref<5x128x128xf32, #tpu.memory_space<vmem>> -> memref<1x128x128xf32, #tpu.memory_space<vmem>>
    %dma_wait3A_34 = tpu.memref_squeeze %dma_wait3A_33 : memref<1x128x128xf32, #tpu.memory_space<vmem>> -> memref<128x128xf32, #tpu.memory_space<vmem>>
    %dma_wait3A_35 = arith.constant 0 : i32
    %dma_wait3A_36 = tpu.memref_slice %arg4[%add3A_28, %dma_wait3A_35] : memref<1048576x128xf32, #tpu.memory_space<hbm>> -> memref<128x128xf32, #tpu.memory_space<hbm>>
    %dma_wait3A_37 = tpu.memref_slice %arg8[%dma_wait3A_30] : memref<5x!tpu.dma_semaphore, #tpu.memory_space<semaphore_mem>> -> memref<1x!tpu.dma_semaphore, #tpu.memory_space<semaphore_mem>>
    %dma_wait3A_38 = tpu.memref_squeeze %dma_wait3A_37 : memref<1x!tpu.dma_semaphore, #tpu.memory_space<semaphore_mem>> -> memref<!tpu.dma_semaphore, #tpu.memory_space<semaphore_mem>>
    %dma_wait3A_39 = arith.constant 0 : i32
    %dma_wait3A_40 = tpu.memref_slice %arg4[%add3A_28, %dma_wait3A_39] : memref<1048576x128xf32, #tpu.memory_space<hbm>> -> memref<128x128xf32, #tpu.memory_space<hbm>>
    %dma_wait3A_41 = arith.constant 0 : i32
    %dma_wait3A_42 = arith.constant 0 : i32
    %dma_wait3A_43 = tpu.memref_slice %arg6[%dma_wait3A_29, %dma_wait3A_41, %dma_wait3A_42] : memref<5x128x128xf32, #tpu.memory_space<vmem>> -> memref<1x128x128xf32, #tpu.memory_space<vmem>>
    %dma_wait3A_44 = tpu.memref_squeeze %dma_wait3A_43 : memref<1x128x128xf32, #tpu.memory_space<vmem>> -> memref<128x128xf32, #tpu.memory_space<vmem>>
    tpu.wait_dma2 semaphore(%dma_wait3A_38 : memref<!tpu.dma_semaphore, #tpu.memory_space<semaphore_mem>>) src(%dma_wait3A_44 : memref<128x128xf32, #tpu.memory_space<vmem>>) dst(%dma_wait3A_40 : memref<128x128xf32, #tpu.memory_space<hbm>>)
    %add3A_45 = arith.constant 32384 : i32
    %add3A_46 = arith.addi %mul3A_4, %add3A_45 : i32
    %dma_wait3A_47 = arith.constant 3 : i32
    %dma_wait3A_48 = arith.constant 3 : i32
    %dma_wait3A_49 = arith.constant 0 : i32
    %dma_wait3A_50 = arith.constant 0 : i32
    %dma_wait3A_51 = tpu.memref_slice %arg6[%dma_wait3A_47, %dma_wait3A_49, %dma_wait3A_50] : memref<5x128x128xf32, #tpu.memory_space<vmem>> -> memref<1x128x128xf32, #tpu.memory_space<vmem>>
    %dma_wait3A_52 = tpu.memref_squeeze %dma_wait3A_51 : memref<1x128x128xf32, #tpu.memory_space<vmem>> -> memref<128x128xf32, #tpu.memory_space<vmem>>
    %dma_wait3A_53 = arith.constant 0 : i32
    %dma_wait3A_54 = tpu.memref_slice %arg4[%add3A_46, %dma_wait3A_53] : memref<1048576x128xf32, #tpu.memory_space<hbm>> -> memref<128x128xf32, #tpu.memory_space<hbm>>
    %dma_wait3A_55 = tpu.memref_slice %arg8[%dma_wait3A_48] : memref<5x!tpu.dma_semaphore, #tpu.memory_space<semaphore_mem>> -> memref<1x!tpu.dma_semaphore, #tpu.memory_space<semaphore_mem>>
    %dma_wait3A_56 = tpu.memref_squeeze %dma_wait3A_55 : memref<1x!tpu.dma_semaphore, #tpu.memory_space<semaphore_mem>> -> memref<!tpu.dma_semaphore, #tpu.memory_space<semaphore_mem>>
    %dma_wait3A_57 = arith.constant 0 : i32
    %dma_wait3A_58 = tpu.memref_slice %arg4[%add3A_46, %dma_wait3A_57] : memref<1048576x128xf32, #tpu.memory_space<hbm>> -> memref<128x128xf32, #tpu.memory_space<hbm>>
    %dma_wait3A_59 = arith.constant 0 : i32
    %dma_wait3A_60 = arith.constant 0 : i32
    %dma_wait3A_61 = tpu.memref_slice %arg6[%dma_wait3A_47, %dma_wait3A_59, %dma_wait3A_60] : memref<5x128x128xf32, #tpu.memory_space<vmem>> -> memref<1x128x128xf32, #tpu.memory_space<vmem>>
    %dma_wait3A_62 = tpu.memref_squeeze %dma_wait3A_61 : memref<1x128x128xf32, #tpu.memory_space<vmem>> -> memref<128x128xf32, #tpu.memory_space<vmem>>
    tpu.wait_dma2 semaphore(%dma_wait3A_56 : memref<!tpu.dma_semaphore, #tpu.memory_space<semaphore_mem>>) src(%dma_wait3A_62 : memref<128x128xf32, #tpu.memory_space<vmem>>) dst(%dma_wait3A_58 : memref<128x128xf32, #tpu.memory_space<hbm>>)
    %add3A_63 = arith.constant 32512 : i32
    %add3A_64 = arith.addi %mul3A_4, %add3A_63 : i32
    %dma_wait3A_65 = arith.constant 4 : i32
    %dma_wait3A_66 = arith.constant 4 : i32
    %dma_wait3A_67 = arith.constant 0 : i32
    %dma_wait3A_68 = arith.constant 0 : i32
    %dma_wait3A_69 = tpu.memref_slice %arg6[%dma_wait3A_65, %dma_wait3A_67, %dma_wait3A_68] : memref<5x128x128xf32, #tpu.memory_space<vmem>> -> memref<1x128x128xf32, #tpu.memory_space<vmem>>
    %dma_wait3A_70 = tpu.memref_squeeze %dma_wait3A_69 : memref<1x128x128xf32, #tpu.memory_space<vmem>> -> memref<128x128xf32, #tpu.memory_space<vmem>>
    %dma_wait3A_71 = arith.constant 0 : i32
    %dma_wait3A_72 = tpu.memref_slice %arg4[%add3A_64, %dma_wait3A_71] : memref<1048576x128xf32, #tpu.memory_space<hbm>> -> memref<128x128xf32, #tpu.memory_space<hbm>>
    %dma_wait3A_73 = tpu.memref_slice %arg8[%dma_wait3A_66] : memref<5x!tpu.dma_semaphore, #tpu.memory_space<semaphore_mem>> -> memref<1x!tpu.dma_semaphore, #tpu.memory_space<semaphore_mem>>
    %dma_wait3A_74 = tpu.memref_squeeze %dma_wait3A_73 : memref<1x!tpu.dma_semaphore, #tpu.memory_space<semaphore_mem>> -> memref<!tpu.dma_semaphore, #tpu.memory_space<semaphore_mem>>
    %dma_wait3A_75 = arith.constant 0 : i32
    %dma_wait3A_76 = tpu.memref_slice %arg4[%add3A_64, %dma_wait3A_75] : memref<1048576x128xf32, #tpu.memory_space<hbm>> -> memref<128x128xf32, #tpu.memory_space<hbm>>
    %dma_wait3A_77 = arith.constant 0 : i32
    %dma_wait3A_78 = arith.constant 0 : i32
    %dma_wait3A_79 = tpu.memref_slice %arg6[%dma_wait3A_65, %dma_wait3A_77, %dma_wait3A_78] : memref<5x128x128xf32, #tpu.memory_space<vmem>> -> memref<1x128x128xf32, #tpu.memory_space<vmem>>
    %dma_wait3A_80 = tpu.memref_squeeze %dma_wait3A_79 : memref<1x128x128xf32, #tpu.memory_space<vmem>> -> memref<128x128xf32, #tpu.memory_space<vmem>>
    tpu.wait_dma2 semaphore(%dma_wait3A_74 : memref<!tpu.dma_semaphore, #tpu.memory_space<semaphore_mem>>) src(%dma_wait3A_80 : memref<128x128xf32, #tpu.memory_space<vmem>>) dst(%dma_wait3A_76 : memref<128x128xf32, #tpu.memory_space<hbm>>)
    %add3A_81 = arith.constant 32640 : i32
    %add3A_82 = arith.addi %mul3A_4, %add3A_81 : i32
    %dma_wait3A_83 = arith.constant 0 : i32
    %dma_wait3A_84 = arith.constant 0 : i32
    %dma_wait3A_85 = arith.constant 0 : i32
    %dma_wait3A_86 = arith.constant 0 : i32
    %dma_wait3A_87 = tpu.memref_slice %arg6[%dma_wait3A_83, %dma_wait3A_85, %dma_wait3A_86] : memref<5x128x128xf32, #tpu.memory_space<vmem>> -> memref<1x128x128xf32, #tpu.memory_space<vmem>>
    %dma_wait3A_88 = tpu.memref_squeeze %dma_wait3A_87 : memref<1x128x128xf32, #tpu.memory_space<vmem>> -> memref<128x128xf32, #tpu.memory_space<vmem>>
    %dma_wait3A_89 = arith.constant 0 : i32
    %dma_wait3A_90 = tpu.memref_slice %arg4[%add3A_82, %dma_wait3A_89] : memref<1048576x128xf32, #tpu.memory_space<hbm>> -> memref<128x128xf32, #tpu.memory_space<hbm>>
    %dma_wait3A_91 = tpu.memref_slice %arg8[%dma_wait3A_84] : memref<5x!tpu.dma_semaphore, #tpu.memory_space<semaphore_mem>> -> memref<1x!tpu.dma_semaphore, #tpu.memory_space<semaphore_mem>>
    %dma_wait3A_92 = tpu.memref_squeeze %dma_wait3A_91 : memref<1x!tpu.dma_semaphore, #tpu.memory_space<semaphore_mem>> -> memref<!tpu.dma_semaphore, #tpu.memory_space<semaphore_mem>>
    %dma_wait3A_93 = arith.constant 0 : i32
    %dma_wait3A_94 = tpu.memref_slice %arg4[%add3A_82, %dma_wait3A_93] : memref<1048576x128xf32, #tpu.memory_space<hbm>> -> memref<128x128xf32, #tpu.memory_space<hbm>>
    %dma_wait3A_95 = arith.constant 0 : i32
    %dma_wait3A_96 = arith.constant 0 : i32
    %dma_wait3A_97 = tpu.memref_slice %arg6[%dma_wait3A_83, %dma_wait3A_95, %dma_wait3A_96] : memref<5x128x128xf32, #tpu.memory_space<vmem>> -> memref<1x128x128xf32, #tpu.memory_space<vmem>>
    %dma_wait3A_98 = tpu.memref_squeeze %dma_wait3A_97 : memref<1x128x128xf32, #tpu.memory_space<vmem>> -> memref<128x128xf32, #tpu.memory_space<vmem>>
    tpu.wait_dma2 semaphore(%dma_wait3A_92 : memref<!tpu.dma_semaphore, #tpu.memory_space<semaphore_mem>>) src(%dma_wait3A_98 : memref<128x128xf32, #tpu.memory_space<vmem>>) dst(%dma_wait3A_94 : memref<128x128xf32, #tpu.memory_space<hbm>>)
    return
  }
}

module attributes {stable_mosaic.version = 14 : i64} {
  func.func @_transpose_body(%arg0: i32, %arg1: memref<1x96x16x512xf32, #tpu.memory_space<vmem>>, %arg2: memref<8192x128xf32, #tpu.memory_space<vmem>>) attributes {dimension_semantics = [#tpu.dimension_semantics<arbitrary>], iteration_bounds = array<i64: 32>, scalar_prefetch = 0 : i64, scratch_operands = 0 : i64, tpu.core_type = #tpu.core_type<tc>, window_params = [{transform_indices = @transform_0, window_bounds = array<i64: 1, 96, 16, 512>}, {transform_indices = @transform_1, window_bounds = array<i64: 8192, 128>}]} {
    %get3A = arith.constant 0 : index
    %get3A_0 = arith.constant 0 : index
    %get3A_1 = arith.constant 0 : index
    %get3A_2 = arith.constant 0 : index
    %get3A_3 = vector.load %arg1[%get3A, %get3A_0, %get3A_1, %get3A_2] : memref<1x96x16x512xf32, #tpu.memory_space<vmem>>, vector<1x96x16x512xf32>
    %get3A_4 = vector.shape_cast %get3A_3 : vector<1x96x16x512xf32> to vector<96x16x512xf32>
    %reshape3A = vector.shape_cast %get3A_4 : vector<96x16x512xf32> to vector<96x8192xf32>
    %transpose3A = tpu.transpose %reshape3A, [1, 0] : vector<96x8192xf32> -> vector<8192x96xf32>
    %swap3A = arith.constant 0 : index
    %swap3A_5 = arith.constant 0 : index
    %swap3A_6 = vector.load %arg2[%swap3A, %swap3A_5] : memref<8192x128xf32, #tpu.memory_space<vmem>>, vector<8192x96xf32>
    tpu.vector_store %arg2[%swap3A, %swap3A_5], %transpose3A {strides = array<i32>} : memref<8192x128xf32, #tpu.memory_space<vmem>>, vector<8192x96xf32>,
    return
  }
  func.func @transform_0(%arg0: i32) -> (i32, i32, i32, i32) {
    %c0_i32 = arith.constant 0 : i32
    %c0_i32_0 = arith.constant 0 : i32
    %c0_i32_1 = arith.constant 0 : i32
    %c0_i32_2 = arith.constant 0 : i32
    return %c0_i32, %c0_i32_0, %arg0, %c0_i32_1 : i32, i32, i32, i32
  }
  func.func @transform_1(%arg0: i32) -> (i32, i32) {
    %c0_i32 = arith.constant 0 : i32
    %c0_i32_0 = arith.constant 0 : i32
    return %arg0, %c0_i32 : i32, i32
  }
}

</mosaic_0001>

<sc_bundles>
// kernel: kernel.4.cloned.1.call-start
scs
__scs_entry_jumppad:
0x0: {  	(pc) =	sbr.rel $0x88, $3  }
0x1: {  	(tag) =	ssettag $0x0;
	lr =	simm.s32 $0x1  }
0x2: {  	[smem:$0x3F9F] =	sst lr;
	_ =	strace $0xD0000000  }
0x3: {  	_ = 	snop  }
0x4: {  	_ = 	snop  }
0x5: {  	_ = 	snop  }
0x6: {  	_ = 	snop  }
0x7: {  	_ = 	snop  }
__scs_overlays_trampoline_lowered:
0x8: {  	[smem:$0x3FAE] =	sst s0  }
0x9: {  	[smem:$0x3FAF] =	sst s1  }
0xa: {  	[smem:$0x3FB0] =	sst s2  }
0xb: {  	[smem:$0x3FB1] =	sst s3  }
0xc: {  	[smem:$0x3FB2] =	sst s4  }
0xd: {  	[smem:$0x3FB3] =	sst s5  }
0xe: {  	[smem:$0x3FB4] =	sst s6  }
0xf: {  	[smem:$0x3FB5] =	sst s7  }
0x10: {  	[smem:$0x3FB6] =	sst s8  }
0x11: {  	[smem:$0x3FB7] =	sst s9;
	s0 =	simm.s32 @!p0 $0x0  }
0x12: {  	s1 =	sld [smem:$0x3F9D];
	s0 =	simm.s32 @p0 $0x1  }
0x13: {  	[smem:$0x3FB8] =	sst s0;
	s0 =	simm.s32 @!p1 $0x0  }
0x14: {  	s2 =	sld [smem:$0x3F9C];
	s0 =	simm.s32 @p1 $0x1  }
0x15: {  	[smem:$0x3FB9] =	sst s0;
	s0 =	simm.s32 @!p2 $0x0  }
0x16: {  	s3 =	sld [smem:$0x3FDB];
	s0 =	simm.s32 @p2 $0x1  }
0x17: {  	s4 =	simm.s32 $0x1BF5;
	[smem:$0x3FBB] =	sst s0  }
0x18: {  	s0 =	sld [smem:$0x3F9E];
	_ =	swait.ge [sflag:s4], $0x0  }
0x19: {  	s7 =	sld [smem:$0x3F9F]  }
0x1a: {  	s8 =	sadd.s32 $0xFFFFE003, lr  }
0x1b: {  	s9 =	sadd.s32 $0xFFFFFEF7, lr;
	s5 =	simm.s32 $0xFFFFFFFF;
	p2 =	slt.u32 s8, $0xFFFFF086  }
0x1c: {  	p1 =	slt.u32 s9, $0xF7A;
	s5 =	simm.s32 @!p2 $0x0  }
0x1d: {  	s5 =	simm.s32 @p1 $0x1;
	p0 =	seq.s32 s7, s2  }
0x1e: {  	s7 =	smul.u32 @!p0 $0xF7A, s2;
	p2 =	seq.s32 @!p0 s5, $0x0  }
0x1f: {  	s9 =	smul.u32 $0xF7A, s1;
	s8 =	simm.s32 @!p0 $0x1BF5;
	p2 =	por !p2, p0  }
0x20: {  	[sflag:s8] =	ssyncset.s32 @!p0 $0xFFFFF086;
	s6 =	sadd.s32 @!p0 s3, s7;
	s7 =	simm.s32 @!p0 $0x108  }
0x21: {  	s3 =	sadd.s32 s3, s9;
	s6 =	sadd.s32 @!p0 $0x88, s6;
	s7 =	simm.s32 @p2 $0x1082  }
0x22: {  	[simem:s7], [sflag:s8] =	dma.local @!p0 [hbm:s6], $0xF7A  }
0x23: {  	s9 =	sor.u32 $0xD0000000, s2;
	s6 =	simm.s32 $0x108;
	_ =	swait.ge @!p0 [sflag:s8], $0x0  }
0x24: {  	s3 =	sadd.s32 $0x88, s3;
	s6 =	simm.s32 @!p1 $0x1082;
	[sflag:s4] =	ssyncset.s32 $0xFFFFF086  }
0x25: {  	[simem:s6], [sflag:s4] =	dma.local [hbm:s3], $0xF7A  }
0x26: {  	[smem:$0x3F9F] =	sst s1;
	(tag) =	ssettag s2;
	_ =	strace s9  }
0x27: {  	s1 =	sld [smem:$0x3FAF]  }
0x28: {  	s2 =	sld [smem:$0x3FB0]  }
0x29: {  	s4 =	sld [smem:$0x3FB2]  }
0x2a: {  	p0 =	seq.s32 s5, $0x0;
	s5 =	sld [smem:$0x3FB3]  }
0x2b: {  	s6 =	sld [smem:$0x3FB4]  }
0x2c: {  	s7 =	sld [smem:$0x3FB5]  }
0x2d: {  	s3 =	simm.s32 $0x108;
	s8 =	sld [smem:$0x3FB6]  }
0x2e: {  	s3 =	simm.s32 @!p0 $0x1082;
	s9 =	sld [smem:$0x3FB7]  }
0x2f: {  	lr =	sadd.s32 s0, s3;
	s0 =	sld [smem:$0x3FAE]  }
0x30: {  	s3 =	sld [smem:$0x3FB1]  }
0x31: {  	[smem:$0x3FBA] =	sst s10  }
0x32: {  	s10 =	sld [smem:$0x3FB8];
	_ =	sdelay $0x3  }
0x33: {  	p0 =	seq.s32 s10, $0x1;
	s10 =	sld [smem:$0x3FBA];
	_ =	sdelay $0x3  }
0x34: {  	[smem:$0x3FBA] =	sst s10  }
0x35: {  	s10 =	sld [smem:$0x3FB9];
	_ =	sdelay $0x3  }
0x36: {  	p1 =	seq.s32 s10, $0x1;
	s10 =	sld [smem:$0x3FBA];
	_ =	sdelay $0x3  }
0x37: {  	[smem:$0x3FBA] =	sst s10  }
0x38: {  	s10 =	sld [smem:$0x3FBB]  }
0x39: {  	_ = 	snop;
	(pc) =	sbr.ind lr, $3  }
0x3a: {  	_ = 	snop  }
0x3b: {  	_ = 	snop  }
0x3c: {  	p2 =	seq.s32 s10, $0x1;
	s10 =	sld [smem:$0x3FBA]  }
0x3d: {  	_ =	shalt  }
0x3e: {  	_ =	shalt  }
0x3f: {  	_ =	shalt  }
0x40: {  	_ =	shalt  }
0x41: {  	_ =	shalt  }
0x42: {  	_ =	shalt  }
0x43: {  	_ =	shalt  }
0x44: {  	_ =	shalt  }
0x45: {  	_ =	shalt  }
0x46: {  	_ =	shalt  }
0x47: {  	_ =	shalt  }
0x48: {  	_ =	shalt  }
0x49: {  	_ =	shalt  }
0x4a: {  	_ =	shalt  }
0x4b: {  	_ =	shalt  }
0x4c: {  	_ =	shalt  }
0x4d: {  	_ =	shalt  }
0x4e: {  	_ =	shalt  }
0x4f: {  	_ =	shalt  }
0x50: {  	_ =	shalt  }
0x51: {  	_ =	shalt  }
0x52: {  	_ =	shalt  }
0x53: {  	_ =	shalt  }
0x54: {  	_ =	shalt  }
0x55: {  	_ =	shalt  }
0x56: {  	_ =	shalt  }
0x57: {  	_ =	shalt  }
0x58: {  	_ =	shalt  }
0x59: {  	_ =	shalt  }
0x5a: {  	_ =	shalt  }
0x5b: {  	_ =	shalt  }
0x5c: {  	_ =	shalt  }
0x5d: {  	_ =	shalt  }
0x5e: {  	_ =	shalt  }
0x5f: {  	_ =	shalt  }
0x60: {  	_ =	shalt  }
0x61: {  	_ =	shalt  }
0x62: {  	_ =	shalt  }
0x63: {  	_ =	shalt  }
0x64: {  	_ =	shalt  }
0x65: {  	_ =	shalt  }
0x66: {  	_ =	shalt  }
0x67: {  	_ =	shalt  }
0x68: {  	_ =	shalt  }
0x69: {  	_ =	shalt  }
0x6a: {  	_ =	shalt  }
0x6b: {  	_ =	shalt  }
0x6c: {  	_ =	shalt  }
0x6d: {  	_ =	shalt  }
0x6e: {  	_ =	shalt  }
0x6f: {  	_ =	shalt  }
0x70: {  	_ =	shalt  }
0x71: {  	_ =	shalt  }
0x72: {  	_ =	shalt  }
0x73: {  	_ =	shalt  }
0x74: {  	_ =	shalt  }
0x75: {  	_ =	shalt  }
0x76: {  	_ =	shalt  }
0x77: {  	_ =	shalt  }
0x78: {  	_ =	shalt  }
0x79: {  	_ =	shalt  }
0x7a: {  	_ =	shalt  }
0x7b: {  	_ =	shalt  }
0x7c: {  	_ =	shalt  }
0x7d: {  	_ =	shalt  }
0x7e: {  	_ =	shalt  }
0x7f: {  	_ =	shalt  }
0x80: {  	_ =	shalt  }
0x81: {  	_ =	shalt  }
0x82: {  	_ =	shalt  }
0x83: {  	_ =	shalt  }
0x84: {  	_ =	shalt  }
0x85: {  	_ =	shalt  }
0x86: {  	_ =	shalt  }
0x87: {  	_ =	shalt  }
.Lfunc_end0:
.L_simem_size_0:
called_computation.1_lowered:
.L_overlay_start_0:
0x88: {  	s2 =	sld [smem:$0x3FD9]  }
0x89: {  	s3 =	sld [smem:$0x3FFE];
	_ =	sdelay $0x1  }
0x8a: {  	s1 =	srdreg.scid  }
0x8b: {  	s0 =	sand.u32 $0x1, s1  }
0x8c: {  	s17 =	sshll.u32 s0, $0xA;
	s2 =	sadd.s32 s3, s2  }
0x8d: {  	s2 =	sadd.s32 s2, s17  }
0x8e: {  	[smem:$0x3FC6] =	sst s2  }
0x8f: {  	_ = 	snop  }
0x90: {  	s2 =	sld [smem:$0x3FC8]  }
0x91: {  	s18 =	sld [smem:$0x3FD0];
	(tm) =	ssettm $0x1  }
0x92: {  	s4 =	sld [smem:$0x3FFB];
	_ =	sdelay $0x3  }
0x93: {  	_ =	strace s4  }
0x94: {  	s4 =	sld [smem:$0x3FFC];
	_ =	sdelay $0x3  }
0x95: {  	_ =	strace s4  }
0x96: {  	s4 =	sld [smem:$0x3FFD];
	_ =	sdelay $0x3  }
0x97: {  	_ =	strace s4  }
0x98: {  	_ =	strace $0x8FFFFFFF  }
0x99: {  	s19 =	sld [smem:$0x3FDB];
	_ =	sdelay $0x1  }
0x9a: {  	s5 =	simm.s32 $_scs_section_size  }
0x9b: {  	s6 =	simm.s32 $_size__tile_overlayer_lowered;
	s7 =	simm.s32 $_tile_overlayer_lowered  }
0x9c: {  	s22 =	simm.s32 $0x1BFF;
	s21 =	sshll.u32 s7, $0x1;
	s4 =	sadd.s32 s5, s19  }
0x9d: {  	s8 =	simm.s32 $0x0;
	s20 =	sshll.u32 s6, $0x1;
	s6 =	sadd.s32 s21, s4  }
0x9e: {  	[timem:s8], [sflag:s22] =	dma.local [hbm:s6], s20  }
0x9f: {  	_ =	swait.ge [sflag:s22], s20  }
0xa0: {  	s5 =	ssub.s32 $0x0, s20;
	[sflag:s22] =	ssyncset.done $0x0  }
0xa1: {  	[sflag:s22] =	ssyncadd.s32 s5;
	_ =	sdelay $0x1  }
0xa2: {  	s23 =	simm.s32 $0x1B8B  }
0xa3: {  	_ =	swait.ge [sflag:s23], $0x1  }
0xa4: {  	[sflag:s23] =	ssyncset.done $0x0  }
0xa5: {  	s25 =	simm.s32 $0x1B8E;
	s24 =	sld [smem:$0x3FFE];
	[sflag:s23] =	ssyncadd.s32 $0xFFFFFFFF  }
0xa6: {  	s26 =	simm.s32 $execute0_lowered;
	[smem:$0x3FD2] =	sst s25  }
0xa7: {  	s6 =	sshll.u32 s26, $0x1;
	_ =	strace $0x80000046;
	[dreg:$0x1] =	wrdreg $0xFFFFFFFF  }
0xa8: {  	s28 =	simm.s32 $_size_execute0_lowered;
	s4 =	sadd.s32 s4, s6;
	[dreg:$0x0] =	wrdreg $0x0  }
0xa9: {  	s6 =	sshll.u32 s28, $0x1;
	[dreg:$0x2] =	wrdreg s4  }
0xaa: {  	[dreg:$0x3] =	wrdreg s6  }
0xab: {  	[dreg:$0x4] =	wrdreg $0xC0  }
0xac: {  	_ =	task [dreg:s8], $0x5FFFF  }
0xad: {  	[dreg:$0x1] =	wrdreg $0xFFFFFFFF  }
0xae: {  	[dreg:$0x0] =	wrdreg $0x60  }
0xaf: {  	[dreg:$0x2] =	wrdreg s18  }
0xb0: {  	[dreg:$0x3] =	wrdreg s2  }
0xb1: {  	[dreg:$0x4] =	wrdreg s24  }
0xb2: {  	[dreg:$0x5] =	wrdreg $0x9  }
0xb3: {  	_ =	task.clear_ibuf [dreg:s8], $0x6FFFF;
	_ =	strace $0x90000046  }
0xb4: {  	s29 =	simm.s32 $0x9;
	_ =	strace $0x80000048  }
0xb5: {  	_ =	swait.ge [sflag:s29], $0x1  }
0xb6: {  	[sflag:s29] =	ssyncadd.s32 $0xFFFFFFFF  }
0xb7: {  	_ =	strace $0x90000048  }
0xb8: {  	_ =	sfence  }
0xb9: {  	s30 =	sld [smem:$0x0];
	_ =	sdelay $0x2  }
0xba: {  	s31 =	sshll.u32 s1, $0xD;
	s1 =	sshrl.u32 s1, $0x2  }
0xbb: {  	s3 =	sand.u32 $0x4000, s31;
	s1 =	sadd.s32 s1, s30  }
0xbc: {  	s0 =	sor.u32 s3, s0;
	s1 =	sshll.u32 s1, $0x11  }
0xbd: {  	s0 =	sor.u32 s1, s0  }
0xbe: {  	s0 =	sadd.s32 $0x8F2B, s0  }
0xbf: {  	[sflag:s0] =	ssyncadd.remote.s32 $0x1  }
0xc0: {  	_ =	sfence.sel $0xFFFF  }
0xc1: {  	[dreg:$0x0] =	wrdreg $0xFFFFFFFF;
	(pc) =	sbr.abs _section_cstart, $3  }
0xc2: {  	[dreg:$0x1] =	wrdreg $0xFFFFFFFF  }
0xc3: {  	_ =	task.clear_ibuf [dreg:s8], $0x2FFFF;
	_ =	strace $0x9FFFFFFF  }
0xc4: {  	(tm) =	ssettm $0x7FFFFFFF  }
0xc5: {  	_ =	shalt  }
tec
execute0_lowered:
.L_overlay_start_1:
0x0: {  	(tag) =	ssettag $0x1  }
0x1: {  	s1 =	rddreg [dreg:$0x0]  }
0x2: {  	s5 =	rddreg [dreg:$0x1]  }
0x3: {  	s3 =	rddreg [dreg:$0x2]  }
0x4: {  	s0 =	rddreg [dreg:$0x3];
	s2 =	simm.s32 $0x0  }
0x5: {  	s4 =	srdreg.scid;
	s11 =	simm.s32 $0x8;
	s12 =	simm.s32 $0x9  }
0x6: {  	s13 =	simm.s32 $0xA;
	s14 =	simm.s32 $0x6;
	s15 =	simm.s32 $0x0  }
0x7: {  	[smem:$0x7FF] =	sst s2;
	s6 =	sand.u32 $0x1, s4;
	s4 =	sadd.s32 $0x800, s3  }
0x8: {  	s3 =	stileid.u32;
	_ =	strace $0x80000047;
	s7 =	ssub.s32 $0x2, s6  }
.Ltmp0:
0x9: {  	s29 =	sshll.u32 s3, $0xD;
	s9 =	sshll.u32 s6, $0xC;
	(pc) =	sbr.rel .LBB2_1-.Ltmp0, $4  }
0xa: {  	s30 =	sshll.u32 s3, $0x17;
	s10 =	sshll.u32 s6, $0x16;
	s8 =	sshrl.u32 s7, $0x1  }
0xb: {  	s31 =	sor.u32 s10, s30;
	s7 =	ssub.s32 s7, s8;
	s8 =	sor.u32 s9, s29  }
0xc: {  	s10 =	simm.s32 $0x7;
	s9 =	simm.s32 $0x80;
	s5 =	sadd.s32 s5, s8  }
0xd: {  	s6 =	smax.u32 s7, $0x1;
	s7 =	sadd.s32 $0xFFFF0000, s31;
	s8 =	simm.s32 $0xB  }
.LBB2_8:
0xe: {  	_ =	swait.ge [sflag:s10], $0x4000  }
0xf: {  	[sflag:s10] =	ssyncset.done $0x0  }
0x10: {  	[sflag:s10] =	ssyncadd.s32 $0xFFFFC000  }
0x11: {  	_ =	swait.ge [sflag:s11], $0x4000  }
0x12: {  	[sflag:s11] =	ssyncset.done $0x0  }
0x13: {  	[sflag:s11] =	ssyncadd.s32 $0xFFFFC000  }
0x14: {  	_ =	swait.ge [sflag:s12], $0x4000  }
0x15: {  	[sflag:s12] =	ssyncset.done $0x0  }
0x16: {  	s15 =	sadd.s32 $0x1, s15;
	[sflag:s12] =	ssyncadd.s32 $0xFFFFC000  }
0x17: {  	p0 =	sne.s32 s15, s6;
	_ =	swait.ge [sflag:s13], $0x4000  }
.Ltmp1:
0x18: {  	[sflag:s13] =	ssyncset.done $0x0;
	(pc) =	sbr.rel @!p0 .LBB2_9-.Ltmp1, $4  }
0x19: {  	[sflag:s13] =	ssyncadd.s32 $0xFFFFC000  }
0x1a: {  	_ =	swait.ge [sflag:s14], $0x4000  }
0x1b: {  	[sflag:s14] =	ssyncset.done $0x0  }
0x1c: {  	[sflag:s14] =	ssyncadd.s32 $0xFFFFC000  }
.LBB2_1:
.Ltmp2:
0x1d: {  	(pc) =	sbr.rel .LBB2_2-.Ltmp2, $4  }
0x1e: {  	[tilespmem:s2], [sflag:$0xB] =	stream.linear.gather [hbm4b:s5+s2], $0x8000, $0x38;
	[tilespmem:$0x1C000] =	vst v63  }
0x1f: {  	_ =	swait.ge [sflag:s8], $0x8000  }
0x20: {  	s16 =	simm.s32 $0xFFFFFFFC;
	[sflag:s8] =	ssyncset.done $0x0  }
0x21: {  	s17 =	smov.u32 s7;
	s18 =	simm.s32 $0x0;
	[sflag:s8] =	ssyncadd.s32 $0xFFFF8000  }
.LBB2_4:
0x22: {  	s20 =	sadd.s32 $0x6, s19  }
0x23: {  	_ =	swait.ge [sflag:s20], $0x4000  }
0x24: {  	s21 =	sshll.u32 s19, $0xE;
	[sflag:s20] =	ssyncset.done $0x0  }
0x25: {  	s31 =	sadd.s32 $0x1, s19;
	s30 =	sadd.s32 $0x8000, s21;
	[sflag:s20] =	ssyncadd.s32 $0xFFFFC000  }
0x26: {  	[tilespmem:s30], [sflag:s31] =	stream.indirect.gather [hbm4b:s1+s9], $0x80, s18, s9, $0xb8;
	[tilespmem:$0x1C000] =	vst v63  }
.LBB2_6:
0x27: {  	s19 =	sand.u32 $0xFF, s16  }
0x28: {  	s19 =	smul.u32 $0xCD, s19;
	_ =	sdelay $0x1  }
0x29: {  	s19 =	sshrl.u32 s19, $0xA  }
0x2a: {  	s19 =	smul.u32 $0x5, s19;
	_ =	sdelay $0x1  }
0x2b: {  	s19 =	ssub.s32 s16, s19  }
0x2c: {  	s19 =	sand.u32 $0xFF, s19  }
0x2d: {  	s20 =	sadd.s32 $0x1, s19  }
0x2e: {  	s21 =	sshrl.u32 s17, $0x3;
	_ =	swait.ge [sflag:s20], $0x4000  }
0x2f: {  	s21 =	sadd.s32 s4, s21;
	s31 =	sshll.u32 s19, $0xE;
	[sflag:s20] =	ssyncset.done $0x0  }
0x30: {  	s19 =	sadd.s32 $0x6, s19;
	[sflag:s20] =	ssyncadd.s32 $0xFFFFC000;
	s20 =	sadd.s32 $0x8000, s31  }
0x31: {  	[hbm4b:s21+s2] =	stream.linear.scatter [tilespmem:s20], [sflag:s19], $0x4000, $0x38;
	[tilespmem:$0x1C000] =	vst v63  }
.LBB2_7:
0x32: {  	s16 =	sadd.s32 $0x1, s16  }
0x33: {  	p0 =	sne.s32 s16, $0x100  }
.Ltmp3:
0x34: {  	_ = 	snop;
	(pc) =	sbr.rel @!p0 .LBB2_8-.Ltmp3, $2  }
0x35: {  	_ =	sdelay $0x2  }
0x36: {  	s18 =	sadd.s32 $0x80, s18;
	s17 =	sadd.s32 $0x4000, s17  }
.LBB2_2:
0x37: {  	s19 =	sadd.s32 $0x4, s16  }
0x38: {  	p0 =	sgt.u32 s19, $0xFF  }
.Ltmp4:
0x39: {  	_ = 	snop;
	(pc) =	sbr.rel @p0 .LBB2_6-.Ltmp4, $1  }
0x3a: {  	_ =	sdelay $0x3  }
0x3b: {  	s20 =	smul.u32 $0xCD, s19;
	_ =	sdelay $0x1  }
0x3c: {  	p0 =	slt.u32 s19, $0x5;
	s20 =	sshrl.u32 s20, $0xA  }
.Ltmp5:
0x3d: {  	s20 =	sand.u32 $0x3F, s20;
	(pc) =	sbr.rel @!p0 .LBB2_4-.Ltmp5, $3  }
0x3e: {  	s20 =	smul.u32 $0x5, s20;
	_ =	sdelay $0x1  }
0x3f: {  	s20 =	ssub.s32 s19, s20  }
0x40: {  	s19 =	sand.u32 $0xFF, s20  }
0x41: {  	p0 =	sne.s32 s16, $0x0  }
.Ltmp6:
0x42: {  	_ = 	snop;
	(pc) =	sbr.rel @p0 .LBB2_7-.Ltmp6, $4  }
.Ltmp7:
0x43: {  	_ = 	snop;
	(pc) =	sbr.rel @!p0 .LBB2_6-.Ltmp7, $4  }
0x44: {  	s20 =	sshll.u32 s19, $0xE  }
0x45: {  	s31 =	sadd.s32 $0x1, s19;
	s20 =	sadd.s32 $0x8000, s20  }
0x46: {  	[tilespmem:s20], [sflag:s31] =	stream.indirect.gather [hbm4b:s1+s9], $0x80, s18, s9, $0xb8;
	[tilespmem:$0x1C000] =	vst v63  }
0x47: {  	_ = 	snop  }
.LBB2_9:
0x48: {  	_ =	sfence.sel $0x180000  }
0x49: {  	[bflag:$0x0] =	sbarrier.arrive $0xFFFF  }
0x4a: {  	p0 =	sne.s32 s3, $0x0;
	_ =	strace $0x90000047  }
0x4b: {  	s0 =	sadd.s32 @!p0 $0x100000, s0;
	[bflag:$0x2] =	sbarrier.arrive $0xFFFF  }
0x4c: {  	[sflag:s0] =	ssyncadd.tile.s32 @!p0 $0x1;
	_ =	shalt  }
.Lfunc_end2:
_tile_overlayer_lowered:
.L_overlay_start_2:
0x4d: {  	(tag) =	ssettag $0x2  }
0x4e: {  	s0 =	rddreg [dreg:$0x0];
	s2 =	stileid.u32  }
0x4f: {  	s1 =	rddreg [dreg:$0x1];
	p0 =	sne.s32 s2, $0x0  }
0x50: {  	s3 =	rddreg [dreg:$0x2];
	[bflag:$0x3] =	sbarrier.arrive $0xFFFF;
	s2 =	simm.s32 @!p0 $0x1C0B  }
0x51: {  	[timem:s3], [sflag:s2] =	dma.local @!p0 [hbm:s0], s1  }
0x52: {  	s0 =	simm.s32 @!p0 $0xB  }
0x53: {  	_ =	swait.ge @!p0 [sflag:s0], s1  }
0x54: {  	s1 =	ssub.s32 @!p0 $0x0, s1;
	[sflag:s0] =	ssyncset.done @!p0 $0x0  }
0x55: {  	[sflag:s0] =	ssyncadd.s32 @!p0 s1  }
0x56: {  	[bflag:$0x3] =	sbarrier.arrive $0xFFFF  }
0x57: {  	_ =	shalt  }

// kernel: sparse-core-data-format-call.cloned.1.call-start
scs
called_computation_lowered:
.L_overlay_start_0:
0x0: {  	s2 =	sld [smem:$0x3FD9]  }
0x1: {  	s3 =	sld [smem:$0x3FFE];
	_ =	sdelay $0x1  }
0x2: {  	s1 =	srdreg.scid  }
0x3: {  	s0 =	sand.u32 $0x1, s1  }
0x4: {  	s18 =	sshll.u32 s0, $0xA;
	s2 =	sadd.s32 s3, s2  }
0x5: {  	s2 =	sadd.s32 s2, s18  }
0x6: {  	[smem:$0x3FC6] =	sst s2  }
0x7: {  	_ = 	snop  }
0x8: {  	s2 =	sld [smem:$0x3FD0];
	(tm) =	ssettm $0x1  }
0x9: {  	s19 =	sld [smem:$0x3FFB];
	_ =	sdelay $0x3  }
0xa: {  	_ =	strace s19  }
0xb: {  	s3 =	sld [smem:$0x3FFC];
	_ =	sdelay $0x3  }
0xc: {  	_ =	strace s3  }
0xd: {  	s3 =	sld [smem:$0x3FFD];
	_ =	sdelay $0x3  }
0xe: {  	_ =	strace s3  }
0xf: {  	_ =	strace $0x8FFFFFFF  }
0x10: {  	s20 =	sld [smem:$0x3FDB];
	_ =	sdelay $0x1  }
0x11: {  	s4 =	simm.s32 $_scs_section_size  }
0x12: {  	s5 =	simm.s32 $_size__tile_overlayer_lowered;
	s6 =	simm.s32 $_tile_overlayer_lowered  }
0x13: {  	s23 =	simm.s32 $0x1BFF;
	s22 =	sshll.u32 s6, $0x1;
	s3 =	sadd.s32 s4, s20  }
0x14: {  	s7 =	simm.s32 $0x0;
	s21 =	sshll.u32 s5, $0x1;
	s5 =	sadd.s32 s22, s3  }
0x15: {  	[timem:s7], [sflag:s23] =	dma.local [hbm:s5], s21  }
0x16: {  	_ =	swait.ge [sflag:s23], s21  }
0x17: {  	s4 =	ssub.s32 $0x0, s21;
	[sflag:s23] =	ssyncset.done $0x0  }
0x18: {  	[sflag:s23] =	ssyncadd.s32 s4;
	_ =	sdelay $0x1  }
0x19: {  	s24 =	simm.s32 $0x1B8B  }
0x1a: {  	_ =	swait.ge [sflag:s24], $0x1  }
0x1b: {  	[sflag:s24] =	ssyncset.done $0x0  }
0x1c: {  	s26 =	simm.s32 $0x1B8E;
	s25 =	sld [smem:$0x3FFE];
	[sflag:s24] =	ssyncadd.s32 $0xFFFFFFFF  }
0x1d: {  	s27 =	simm.s32 $execute0_lowered;
	[smem:$0x3FD2] =	sst s26  }
0x1e: {  	s5 =	sshll.u32 s27, $0x1;
	_ =	strace $0x80000049;
	[dreg:$0x1] =	wrdreg $0xFFFFFFFF  }
0x1f: {  	s28 =	simm.s32 $_size_execute0_lowered;
	s3 =	sadd.s32 s3, s5;
	[dreg:$0x0] =	wrdreg $0x0  }
0x20: {  	s5 =	sshll.u32 s28, $0x1;
	[dreg:$0x2] =	wrdreg s3  }
0x21: {  	[dreg:$0x3] =	wrdreg s5  }
0x22: {  	[dreg:$0x4] =	wrdreg $0xC0  }
0x23: {  	_ =	task [dreg:s7], $0x5FFFF  }
0x24: {  	[dreg:$0x1] =	wrdreg $0xFFFFFFFF  }
0x25: {  	[dreg:$0x0] =	wrdreg $0x60  }
0x26: {  	[dreg:$0x2] =	wrdreg s25  }
0x27: {  	[dreg:$0x3] =	wrdreg s2  }
0x28: {  	[dreg:$0x4] =	wrdreg $0x9  }
0x29: {  	_ =	task.clear_ibuf [dreg:s7], $0x5FFFF;
	_ =	strace $0x90000049  }
0x2a: {  	s29 =	simm.s32 $0x9;
	_ =	strace $0x8000004B  }
0x2b: {  	_ =	swait.ge [sflag:s29], $0x1  }
0x2c: {  	[sflag:s29] =	ssyncadd.s32 $0xFFFFFFFF  }
0x2d: {  	_ =	strace $0x9000004B  }
0x2e: {  	_ =	sfence  }
0x2f: {  	s30 =	sld [smem:$0x0];
	_ =	sdelay $0x2  }
0x30: {  	s31 =	sshll.u32 s1, $0xD;
	s1 =	sshrl.u32 s1, $0x2  }
0x31: {  	s3 =	sand.u32 $0x4000, s31;
	s1 =	sadd.s32 s1, s30  }
0x32: {  	s0 =	sor.u32 s3, s0;
	s1 =	sshll.u32 s1, $0x11  }
0x33: {  	s0 =	sor.u32 s1, s0  }
0x34: {  	s0 =	sadd.s32 $0x8F2B, s0  }
0x35: {  	[sflag:s0] =	ssyncadd.remote.s32 $0x1  }
0x36: {  	_ =	sfence.sel $0xFFFF  }
0x37: {  	[dreg:$0x0] =	wrdreg $0xFFFFFFFF;
	(pc) =	sbr.abs _section_cstart, $3  }
0x38: {  	[dreg:$0x1] =	wrdreg $0xFFFFFFFF  }
0x39: {  	_ =	task.clear_ibuf [dreg:s7], $0x2FFFF;
	_ =	strace $0x9FFFFFFF  }
0x3a: {  	(tm) =	ssettm $0x7FFFFFFF  }
0x3b: {  	_ =	shalt  }
tec
execute0_lowered:
.L_overlay_start_1:
0x0: {  	(tag) =	ssettag $0x1  }
0x1: {  	s0 =	srdreg.scid  }
0x2: {  	s5 =	rddreg [dreg:$0x0];
	s1 =	sshll.u32 s0, $0x4  }
0x3: {  	s2 =	rddreg [dreg:$0x1];
	s0 =	stileid.u32;
	s1 =	sand.u32 $0x10, s1  }
0x4: {  	s4 =	simm.s32 $0x1;
	s8 =	simm.s32 $0x2;
	s1 =	sor.u32 s0, s1  }
0x5: {  	s12 =	simm.s32 $0x0;
	s9 =	simm.s32 $0x0;
	s3 =	sshll.u32 s1, $0x7  }
0x6: {  	s11 =	simm.s32 $0x0;
	s5 =	sadd.s32 $0x800, s5;
	s6 =	ssub.s32 $0x100000, s3  }
.Ltmp0:
0x7: {  	s1 =	rddreg [dreg:$0x2];
	s7 =	sand.u32 $0xF80, s6;
	(pc) =	sbr.rel .LBB1_1-.Ltmp0, $4  }
0x8: {  	_ =	strace $0x8000004A;
	p0 =	sne.s32 s7, $0x0;
	s7 =	simm.s32 $0x1  }
0x9: {  	[sflag:s4] =	ssyncpa.u1 $0x0;
	s6 =	sshrl.u32 s6, $0xC;
	s7 =	simm.s32 @!p0 $0x0  }
0xa: {  	s10 =	smov.u32 s3;
	[sflag:s8] =	ssyncpa.u1 $0x0;
	s6 =	sadd.s32 s7, s6  }
0xb: {  	s8 =	simm.s32 $0x800000;
	p0 =	por $0x0, $0x0;
	s7 =	sadd.s32 $0x1, s6  }
.LBB1_4:
0xc: {  	v5 =	vld [tilespmem:s14+$0xFFFFFFD0];
	[tilespmem:s16+$0x2040 ss:$0x81] =	vst.msk $0xffff, v2  }
0xd: {  	v58 =	vld [tilespmem:s14+$0xFFFFFFE0];
	[tilespmem:s16+$0x2850 ss:$0x81] =	vst.msk $0xffff, v4  }
0xe: {  	s17 =	sshra.s32 s17, $0x2;
	s18 =	sshll.u32 s9, $0x3;
	v59 =	vld [tilespmem:s14+$0xFFFFFFF0];
	[tilespmem:s16+$0x3060 ss:$0x81] =	vst.msk $0xffff, v3;
	p1 =	sgt.s32 s9, $0xFFF80  }
0xf: {  	v60 =	vld [tilespmem:s14+$0x0];
	[tilespmem:s16+$0x0 ss:$0x81] =	vst.msk $0xffff, v1;
	s19 =	smov.u32 s9;
	s15 =	sadd.s32 s17, s15;
	s27 =	sshrl.u32 s18, $0x14  }
0x10: {  	s20 =	sshra.s32 s9, $0x1F;
	v61 =	vld [tilespmem:s14+$0x10];
	s29 =	sand.u32 $0x78, s9;
	s28 =	smul.u32 $0xAAB, s27;
	[tilespmem:s15+$0x3870 ss:$0x81] =	vst.msk $0xffff, v0  }
0x11: {  	v62 =	vld [tilespmem:s14+$0x20];
	s30 =	sand.u32 $0x7, s9;
	s19 =	simm.s32 @!p1 $0xFFF80;
	s20 =	sand.u32 s20, s9;
	[tilespmem:s15+$0x810 ss:$0x81] =	vst.msk $0xffff, v5  }
0x12: {  	v63 =	vld [tilespmem:s14+$0xFFFFFFC0];
	s18 =	sand.u32 $0xFFC00, s18;
	s19 =	ssub.s32 s19, s20;
	s16 =	sshrl.u32 s28, $0x12;
	[tilespmem:s15+$0x1020 ss:$0x81] =	vst.msk $0xffff, v58  }
0x13: {  	s14 =	sor.u32 s29, s18;
	s20 =	ssub.s32 $0x100000, s19;
	s16 =	smul.u32 $0x60, s16;
	[tilespmem:s15+$0x1830 ss:$0x81] =	vst.msk $0xffff, v59  }
0x14: {  	s18 =	sshll.u32 s30, $0x12;
	s19 =	sadd.s32 $0xFFF00080, s19;
	s20 =	smul.u32 $0x180, s20;
	[tilespmem:s15+$0x2040 ss:$0x81] =	vst.msk $0xffff, v60  }
0x15: {  	s14 =	sshrl.u32 s14, $0x3;
	p1 =	sgt.s32 s19, $0x7F;
	[tilespmem:s15+$0x2850 ss:$0x81] =	vst.msk $0xffff, v61;
	s16 =	ssub.s32 s27, s16  }
0x16: {  	s14 =	sadd.s32 s2, s14;
	[tilespmem:s15+$0x3060 ss:$0x81] =	vst.msk $0xffff, v62;
	s17 =	sshrl.u32 s20, $0x2;
	s16 =	sshll.u32 s16, $0x11  }
0x17: {  	s31 =	sor.u32 $0x400, s18;
	[tilespmem:s15+$0x0 ss:$0x81] =	vst.msk $0xffff, v63;
	s17 =	simm.s32 @p1 $0x0;
	s14 =	sadd.s32 s16, s14  }
0x18: {  	[hbm4b:s14+s31] =	stream.strided.scatter [tilespmem:s13], [sflag:$0x2], s17, s8, s31, $0x20;
	[tilespmem:$0x10100] =	vst v63  }
.LBB1_5:
0x19: {  	p1 =	slt.u32 s11, $0x2  }
0x1a: {  	p2 =	sgt.s32 @!p1 s12, $0xFFF80  }
0x1b: {  	s13 =	smov.u32 s12;
	s14 =	sshra.s32 @!p1 s12, $0x1F;
	p2 =	por !p2, p1  }
0x1c: {  	s12 =	sand.u32 @!p1 s14, s12;
	s13 =	simm.s32 @p2 $0xFFF80  }
0x1d: {  	s12 =	ssub.s32 @!p1 s13, s12  }
0x1e: {  	s13 =	ssub.s32 @!p1 $0x100000, s12  }
0x1f: {  	s12 =	sadd.s32 @!p1 $0xFFF00080, s12;
	s13 =	smul.u32 @!p1 $0x180, s13  }
0x20: {  	p2 =	sgt.s32 @!p1 s12, $0x7F  }
0x21: {  	s14 =	sadd.s32 $0x1000, s10;
	p2 =	por !p2, p1;
	s12 =	sshrl.u32 @!p1 s13, $0x2  }
0x22: {  	s12 =	simm.s32 @!p2 $0x0;
	p2 =	sgt.s32 s14, $0xFFFFF  }
0x23: {  	s14 =	smov.u32 @p2 s3;
	p2 =	sne.s32 s11, s7  }
.Ltmp1:
0x24: {  	_ = 	snop;
	(pc) =	sbr.rel @!p2 .LBB1_6-.Ltmp1, $4  }
0x25: {  	s13 =	simm.s32 @!p1 $0x2  }
0x26: {  	p0 =	por !p0, !p0;
	_ =	swait.ge @!p1 [sflag:s13], s12;
	s15 =	ssub.s32 @!p1 $0x0, s12  }
0x27: {  	s12 =	smov.u32 s9;
	s11 =	sadd.s32 $0x1, s11;
	[sflag:s13] =	ssyncset.done @!p1 $0x0  }
0x28: {  	s9 =	smov.u32 s10;
	s10 =	smov.u32 s14;
	[sflag:s13] =	ssyncadd.s32 @!p1 s15  }
.LBB1_1:
0x29: {  	p1 =	sge.u32 s11, s6  }
0x2a: {  	s13 =	sxor.u32 @!p1 $0xFFFFFFFF, s11;
	s14 =	sshll.u32 @!p1 s10, $0x4  }
0x2b: {  	s31 =	sadd.s32 $0xFFFFFFFF, s11;
	s13 =	sshll.u32 @!p1 s13, $0xE;
	s14 =	sand.u32 @!p1 $0xFFFFF0, s14  }
0x2c: {  	s15 =	simm.s32 @!p1 $0x0;
	s13 =	sand.u32 @!p1 $0x4000, s13;
	s14 =	sadd.s32 @!p1 s5, s14  }
0x2d: {  	[tilespmem:s13], [sflag:$0x1] =	stream.linear.gather @!p1 [hbm4b:s14+s15], $0x4000, $0x38;
	[tilespmem:$0x10100] =	vst v63  }
0x2e: {  	p1 =	sge.u32 s31, s6  }
.Ltmp2:
0x2f: {  	_ = 	snop;
	(pc) =	sbr.rel @p1 .LBB1_5-.Ltmp2, $1  }
0x30: {  	_ =	sdelay $0x3  }
0x31: {  	s13 =	simm.s32 $0x1  }
0x32: {  	_ =	swait.ge [sflag:s4], $0x4000;
	s13 =	simm.s32 @!p0 $0x0  }
0x33: {  	[sflag:s4] =	ssyncset.done $0x0;
	s14 =	sshll.u32 s13, $0xE  }
0x34: {  	[sflag:s4] =	ssyncadd.s32 $0xFFFFC000;
	s14 =	sor.u32 $0x40, s14  }
0x35: {  	s13 =	smul.u32 $0x10200, s13;
	v0 =	vld [tilespmem:s14+$0x30]  }
0x36: {  	v1 =	vld [tilespmem:s14+$0xFFFFFFD0]  }
0x37: {  	s13 =	sshrl.u32 s13, $0x2;
	v5 =	vld [tilespmem:s14+$0xFFFFFFE0]  }
0x38: {  	v6 =	vld [tilespmem:s14+$0xFFFFFFF0];
	s15 =	sor.u32 $0x8000, s13  }
0x39: {  	s31 =	sand.u32 $0x1, s11;
	v2 =	vld [tilespmem:s14+$0x0];
	s16 =	sadd.s32 $0x0, s15  }
0x3a: {  	v4 =	vld [tilespmem:s14+$0x10];
	s13 =	smul.u32 $0x10200, s31;
	[tilespmem:s16+$0x3870 ss:$0x81] =	vst.msk $0xffff, v0  }
0x3b: {  	v3 =	vld [tilespmem:s14+$0x20];
	[tilespmem:s16+$0x810 ss:$0x81] =	vst.msk $0xffff, v1  }
0x3c: {  	s13 =	sshrl.u32 s13, $0x2;
	v1 =	vld [tilespmem:s14+$0xFFFFFFC0];
	[tilespmem:s16+$0x1020 ss:$0x81] =	vst.msk $0xffff, v5;
	s14 =	sadd.s32 $0x80, s14  }
0x3d: {  	s17 =	simm.s32 $0x4;
	s18 =	simm.s32 $0x8;
	s13 =	sor.u32 $0x8000, s13;
	[tilespmem:s16+$0x1830 ss:$0x81] =	vst.msk $0xffff, v6;
	v0 =	vld [tilespmem:s14+$0x30]  }
.LBB1_3:
0x3e: {  	p1 =	sne.s32 s18, $0x1FC;
	v5 =	vld [tilespmem:s14+$0xFFFFFFD0];
	[tilespmem:s16+$0x2040 ss:$0x81] =	vst.msk $0xffff, v2  }
0x3f: {  	v6 =	vld [tilespmem:s14+$0xFFFFFFE0];
	[tilespmem:s16+$0x2850 ss:$0x81] =	vst.msk $0xffff, v4  }
0x40: {  	s19 =	sshra.s32 s17, $0x2;
	s17 =	smov.u32 s18;
	v7 =	vld [tilespmem:s14+$0xFFFFFFF0];
	[tilespmem:s16+$0x3060 ss:$0x81] =	vst.msk $0xffff, v3  }
.Ltmp3:
0x41: {  	v2 =	vld [tilespmem:s14+$0x0];
	[tilespmem:s16+$0x0 ss:$0x81] =	vst.msk $0xffff, v1;
	s16 =	sadd.s32 s19, s15;
	(pc) =	sbr.rel @p1 .LBB1_3-.Ltmp3, $4  }
0x42: {  	v4 =	vld [tilespmem:s14+$0x10];
	[tilespmem:s16+$0x3870 ss:$0x81] =	vst.msk $0xffff, v0  }
0x43: {  	[tilespmem:s16+$0x810 ss:$0x81] =	vst.msk $0xffff, v5;
	v3 =	vld [tilespmem:s14+$0x20]  }
0x44: {  	v1 =	vld [tilespmem:s14+$0xFFFFFFC0];
	[tilespmem:s16+$0x1020 ss:$0x81] =	vst.msk $0xffff, v6;
	s14 =	sadd.s32 $0x80, s14  }
0x45: {  	s18 =	sadd.s32 $0x4, s18;
	v0 =	vld [tilespmem:s14+$0x30];
	[tilespmem:s16+$0x1830 ss:$0x81] =	vst.msk $0xffff, v7  }
.Ltmp4:
0x46: {  	_ = 	snop;
	(pc) =	sbr.rel .LBB1_4-.Ltmp4, $1  }
0x47: {  	_ =	sdelay $0x3  }
.LBB1_6:
0x48: {  	_ =	sfence.sel $0x180000  }
0x49: {  	s2 =	simm.s32 $0x1;
	[bflag:$0x0] =	sbarrier.arrive $0xFFFF  }
0x4a: {  	s31 =	simm.s32 $0x2;
	[sflag:s2] =	ssyncpa.u1 $0x1  }
0x4b: {  	[sflag:s31] =	ssyncpa.u1 $0x1  }
0x4c: {  	p0 =	sne.s32 s0, $0x0;
	_ =	strace $0x9000004A  }
0x4d: {  	s0 =	sadd.s32 @!p0 $0x100000, s1;
	[bflag:$0x2] =	sbarrier.arrive $0xFFFF  }
0x4e: {  	[sflag:s0] =	ssyncadd.tile.s32 @!p0 $0x1;
	_ =	shalt  }
.Lfunc_end1:
_tile_overlayer_lowered:
.L_overlay_start_2:
0x4f: {  	(tag) =	ssettag $0x2  }
0x50: {  	s0 =	rddreg [dreg:$0x0];
	s2 =	stileid.u32  }
0x51: {  	s1 =	rddreg [dreg:$0x1];
	p0 =	sne.s32 s2, $0x0  }
0x52: {  	s3 =	rddreg [dreg:$0x2];
	[bflag:$0x3] =	sbarrier.arrive $0xFFFF;
	s2 =	simm.s32 @!p0 $0x1C01  }
0x53: {  	[timem:s3], [sflag:s2] =	dma.local @!p0 [hbm:s0], s1  }
0x54: {  	s0 =	simm.s32 @!p0 $0x1  }
0x55: {  	_ =	swait.ge @!p0 [sflag:s0], s1  }
0x56: {  	s1 =	ssub.s32 @!p0 $0x0, s1;
	[sflag:s0] =	ssyncset.done @!p0 $0x0  }
0x57: {  	[sflag:s0] =	ssyncadd.s32 @!p0 s1  }
0x58: {  	[bflag:$0x3] =	sbarrier.arrive $0xFFFF  }
0x59: {  	_ =	shalt  }

</sc_bundles>
